<compile_context>
chip_gen: v7x
topology: tpu7x:2x2x1
jax: 0.10.2.dev20260603
libtpu: 0.0.44.dev20260713+nightly
codegen_flags: <defaults>
</compile_context>

<pallas_src>
import functools

import jax
import jax.numpy as jnp
from jax import lax
from jax.experimental import pallas as pl
from jax.experimental.pallas import tpu as pltpu
from jax.experimental.pallas import tpu_sc as plsc


def _h_body(x_ref, Wd_ref, bd_ref, h_ref):
    h_ref[...] = jnp.dot(x_ref[...], Wd_ref[...],
                         preferred_element_type=jnp.float32) + bd_ref[...]


def _table_body(cb_ref, Wpo_ref, bpo_ref, Wu_ref, bu_ref, Tc_ref):
    tmp = jnp.dot(cb_ref[...], Wpo_ref[...],
                  preferred_element_type=jnp.float32) + bpo_ref[...]
    T = jnp.dot(tmp, Wu_ref[...],
                preferred_element_type=jnp.float32) + bu_ref[...]
    Tc_ref[...] = jnp.clip(T, -1.0, 1.0)


def _onehot_body(idx_ref, Tc_ref, out_ref):
    blk = out_ref.shape[0]
    k = Tc_ref.shape[0]
    idx = idx_ref[0, 0, :]
    iota = lax.broadcasted_iota(jnp.int32, (blk, k), 1)
    oh = (iota == idx[:, None]).astype(jnp.float32)
    out_ref[...] = jnp.dot(oh, Tc_ref[...], preferred_element_type=jnp.float32)


_SC_CORES = 2
_SC_SUBCORES = 16
_SC_WORKERS = _SC_CORES * _SC_SUBCORES


def _sc_gather_call(table, idx, out_dim):
    tok = idx.shape[0]
    bpw = tok // _SC_WORKERS
    chunk = min(bpw, 32)
    nch = bpw // chunk
    mesh = plsc.VectorSubcoreMesh(core_axis_name="c", subcore_axis_name="s",
                                  num_cores=_SC_CORES,
                                  num_subcores=_SC_SUBCORES)

    @functools.partial(
        pl.kernel,
        out_type=jax.ShapeDtypeStruct((tok, out_dim), jnp.float32),
        mesh=mesh,
        scratch_types=[
            pltpu.VMEM((bpw,), jnp.int32),
            pltpu.VMEM((2, chunk, out_dim), jnp.float32),
            pltpu.SemaphoreType.DMA,
            (pltpu.SemaphoreType.DMA, pltpu.SemaphoreType.DMA),
        ],
    )
    def gather(table_hbm, idx_hbm, out_hbm, idx_v, rows_v, idx_sem, sems):
        cid = lax.axis_index("c")
        sid = lax.axis_index("s")
        wid = sid * _SC_CORES + cid
        base = wid * bpw
        pltpu.async_copy(idx_hbm.at[pl.ds(base, bpw)], idx_v, idx_sem).wait()
        pltpu.async_copy(
            table_hbm.at[idx_v.at[pl.ds(0, chunk)]], rows_v.at[0], sems[0])
        for c in range(nch):
            nxt = c + 1
            if nxt < nch:
                pltpu.async_copy(
                    table_hbm.at[idx_v.at[pl.ds(nxt * chunk, chunk)]],
                    rows_v.at[nxt % 2], sems[nxt % 2])
            pltpu.make_async_copy(
                table_hbm.at[idx_v.at[pl.ds(c * chunk, chunk)]],
                rows_v.at[c % 2], sems[c % 2]).wait()
            pltpu.sync_copy(rows_v.at[c % 2],
                            out_hbm.at[pl.ds(base + c * chunk, chunk)])

    return gather(table, idx)


def kernel(x, W_down, b_down, W_pin, b_pin, codebook, W_pout, b_pout, W_up,
           b_up):
    B, S, IN = x.shape
    H = W_down.shape[1]
    CD = W_pin.shape[1]
    K = codebook.shape[0]
    OUT = W_up.shape[1]
    tok = B * S
    x2d = x.reshape(tok, IN)
    blk = 1024
    nb = tok // blk

    h2d = pl.pallas_call(
        _h_body,
        grid=(nb,),
        in_specs=[
            pl.BlockSpec((blk, IN), lambda i: (i, 0)),
            pl.BlockSpec((IN, H), lambda i: (0, 0)),
            pl.BlockSpec((1, H), lambda i: (0, 0)),
        ],
        out_specs=pl.BlockSpec((blk, H), lambda i: (i, 0)),
        out_shape=jax.ShapeDtypeStruct((tok, H), jnp.float32),
    )(x2d, W_down, b_down.reshape(1, H))

    h3 = h2d.reshape(B, S, H)
    z = jnp.einsum("bsh,hc->bsc", h3, W_pin) + b_pin
    z2 = jnp.sum(z * z, axis=-1, keepdims=True)
    c2 = jnp.sum(codebook * codebook, axis=-1)
    cross = jnp.einsum("bsc,kc->bsk", z, codebook)
    dist = z2 - 2.0 * cross + c2[None, None, :]
    indices = jnp.argmin(dist, axis=-1)

    Tc = pl.pallas_call(
        _table_body,
        out_shape=jax.ShapeDtypeStruct((K, OUT), jnp.float32),
    )(codebook, W_pout, b_pout.reshape(1, H), W_up, b_up.reshape(1, OUT))

    idx3 = indices.reshape(nb, 1, blk).astype(jnp.int32)

    sc_out = _sc_gather_call(Tc, idx3[0].reshape(blk), OUT)

    tc_out = pl.pallas_call(
        _onehot_body,
        grid=(nb - 1,),
        in_specs=[
            pl.BlockSpec((1, 1, blk), lambda i: (i + 1, 0, 0)),
            pl.BlockSpec((K, OUT), lambda i: (0, 0)),
        ],
        out_specs=pl.BlockSpec((blk, OUT), lambda i: (i + 1, 0)),
        out_shape=jax.ShapeDtypeStruct((tok, OUT), jnp.float32),
    )(idx3, Tc)

    out2d = lax.dynamic_update_slice(tc_out, sc_out, (0, 0))
    out = out2d.reshape(B, S, OUT)
    commit_loss = jnp.zeros((), dtype=jnp.float32)
    return out, indices, commit_loss

# --- scband reference (transcript-rebuilt; emitter-appended) ---
"""Pipeline reference for scband-vqexpert-75076028334462 (READ-ONLY COPY).

The authoritative reference and input builder live on the scoring server;
editing this copy changes nothing except your own understanding.
"""

import jax, jax.numpy as jnp
import numpy as np

B, S, IN, H, CD, K, OUT = 4, 2048, 1024, 1024, 32, 256, 1024

def setup_inputs(seed: int = 0) -> dict:
    key = jax.random.key(seed)
    ks = jax.random.split(key, 10)
    x = jax.random.normal(ks[0], (B, S, IN), dtype=jnp.float32)
    W_down = jax.random.normal(ks[1], (IN, H), dtype=jnp.float32) * 0.02
    b_down = jnp.zeros((H,), dtype=jnp.float32)
    W_pin = jax.random.normal(ks[2], (H, CD), dtype=jnp.float32) * 0.05
    b_pin = jnp.zeros((CD,), dtype=jnp.float32)
    codebook = jax.random.normal(ks[3], (K, CD), dtype=jnp.float32)
    W_pout = jax.random.normal(ks[4], (CD, H), dtype=jnp.float32) * 0.05
    b_pout = jnp.zeros((H,), dtype=jnp.float32)
    W_up = jax.random.normal(ks[5], (H, OUT), dtype=jnp.float32) * 0.02
    b_up = jnp.zeros((OUT,), dtype=jnp.float32)
    return {"x": x, "W_down": W_down, "b_down": b_down, "W_pin": W_pin, "b_pin": b_pin,
            "codebook": codebook, "W_pout": W_pout, "b_pout": b_pout, "W_up": W_up, "b_up": b_up}

def reference(x, W_down, b_down, W_pin, b_pin, codebook, W_pout, b_pout, W_up, b_up):
    # down projection
    h = jnp.einsum('bsi,ih->bsh', x, W_down) + b_down
    # VectorQuantize: project_in to codebook_dim
    z = jnp.einsum('bsh,hc->bsc', h, W_pin) + b_pin
    # euclidean distances to codebook [K, CD]
    z2 = jnp.sum(z * z, axis=-1, keepdims=True)            # [B,S,1]
    c2 = jnp.sum(codebook * codebook, axis=-1)             # [K]
    cross = jnp.einsum('bsc,kc->bsk', z, codebook)         # [B,S,K]
    dist = z2 - 2.0 * cross + c2[None, None, :]
    indices = jnp.argmin(dist, axis=-1)                    # [B,S] int
    quantized = jnp.take(codebook, indices, axis=0)        # [B,S,CD]
    # straight-through estimator
    quantized = z + jax.lax.stop_gradient(quantized - z)
    # commitment loss (commitment_weight=0)
    commit_loss = jnp.zeros((), dtype=jnp.float32)
    # project_out back to hidden
    q = jnp.einsum('bsc,ch->bsh', quantized, W_pout) + b_pout
    # up projection + clamp
    out = jnp.einsum('bsh,ho->bso', q, W_up) + b_up
    out = jnp.clip(out, -1.0, 1.0)
    return out, indices, commit_loss

if __name__ == "__main__":
    import jax
    _d = setup_inputs()
    print(jax.jit(kernel)(*tuple(_d.values())))

</pallas_src>

<mosaic_0001>
#map = affine_map<(d0, d1) -> (0, 0)>
#map1 = affine_map<(d0, d1) -> (0)>
module attributes {stable_mosaic.version = 14 : i64} {
  func.func @gather(%arg0: i32, %arg1: i32, %arg2: memref<256x1024xf32, #tpu.memory_space<hbm>>, %arg3: memref<1024xi32, #tpu.memory_space<hbm>>, %arg4: memref<1024x1024xf32, #tpu.memory_space<hbm>>, %arg5: memref<32xi32, #tpu.memory_space<vmem>>, %arg6: memref<2x32x1024xf32, #tpu.memory_space<vmem>>, %arg7: memref<!tpu.dma_semaphore, #tpu.memory_space<semaphore_mem>>, %arg8: memref<!tpu.dma_semaphore, #tpu.memory_space<semaphore_mem>>, %arg9: memref<!tpu.dma_semaphore, #tpu.memory_space<semaphore_mem>>) attributes {dimension_semantics = [#tpu.dimension_semantics<core_parallel>, #tpu.dimension_semantics<subcore_parallel>], iteration_bounds = array<i64: 2, 16>, scalar_prefetch = 0 : i64, scratch_operands = 5 : i64, tpu.core_type = #tpu.core_type<sc_vector_subcore>, window_params = [{transform_indices = #map}, {transform_indices = #map1}, {transform_indices = #map}]} {
    %mul3A = arith.constant 2 : i32
    %mul3A_0 = arith.muli %arg1, %mul3A : i32
    %add3A = arith.addi %mul3A_0, %arg0 : i32
    %mul3A_1 = arith.constant 32 : i32
    %mul3A_2 = arith.muli %add3A, %mul3A_1 : i32
    %dma_start3A = tpu.memref_slice %arg3[%mul3A_2] : memref<1024xi32, #tpu.memory_space<hbm>> -> memref<32xi32, #tpu.memory_space<hbm>>
    %dma_start3A_3 = tpu.memref_slice %arg3[%mul3A_2] : memref<1024xi32, #tpu.memory_space<hbm>> -> memref<32xi32, #tpu.memory_space<hbm>>
    tpu.enqueue_dma source(%dma_start3A_3 : memref<32xi32, #tpu.memory_space<hbm>>) target(%arg5 : memref<32xi32, #tpu.memory_space<vmem>>) target_semaphore(%arg7 : memref<!tpu.dma_semaphore, #tpu.memory_space<semaphore_mem>>)
    %dma_wait3A = tpu.memref_slice %arg3[%mul3A_2] : memref<1024xi32, #tpu.memory_space<hbm>> -> memref<32xi32, #tpu.memory_space<hbm>>
    %dma_wait3A_4 = tpu.memref_slice %arg3[%mul3A_2] : memref<1024xi32, #tpu.memory_space<hbm>> -> memref<32xi32, #tpu.memory_space<hbm>>
    tpu.wait_dma2 semaphore(%arg7 : memref<!tpu.dma_semaphore, #tpu.memory_space<semaphore_mem>>) src(%dma_wait3A_4 : memref<32xi32, #tpu.memory_space<hbm>>) dst(%arg5 : memref<32xi32, #tpu.memory_space<vmem>>)
    %dma_start3A_5 = arith.constant 0 : i32
    %dma_start3A_6 = arith.constant 0 : i32
    %dma_start3A_7 = arith.constant 0 : i32
    %dma_start3A_8 = tpu.memref_slice %arg6[%dma_start3A_5, %dma_start3A_6, %dma_start3A_7] : memref<2x32x1024xf32, #tpu.memory_space<vmem>> -> memref<1x32x1024xf32, #tpu.memory_space<vmem>>
    %dma_start3A_9 = tpu.memref_squeeze %dma_start3A_8 : memref<1x32x1024xf32, #tpu.memory_space<vmem>> -> memref<32x1024xf32, #tpu.memory_space<vmem>>
    %dma_start3A_10 = arith.constant 0 : i32
    %dma_start3A_11 = tpu.memref_slice %arg5[%dma_start3A_10] : memref<32xi32, #tpu.memory_space<vmem>> -> memref<32xi32, #tpu.memory_space<vmem>>
    %dma_start3A_12 = arith.constant 0 : i32
    %dma_start3A_13 = arith.constant 0 : i32
    %dma_start3A_14 = tpu.memref_slice %arg2[%dma_start3A_12, %dma_start3A_13] : memref<256x1024xf32, #tpu.memory_space<hbm>> -> memref<256x1024xf32, #tpu.memory_space<hbm>>
    tpu.enqueue_indirect_dma source(%dma_start3A_14 : memref<256x1024xf32, #tpu.memory_space<hbm>>) target(%dma_start3A_9 : memref<32x1024xf32, #tpu.memory_space<vmem>>) offsets(%dma_start3A_11 : memref<32xi32, #tpu.memory_space<vmem>>) semaphore(%arg8 : memref<!tpu.dma_semaphore, #tpu.memory_space<semaphore_mem>>)
    %dma_wait3A_15 = arith.constant 0 : i32
    %dma_wait3A_16 = arith.constant 0 : i32
    %dma_wait3A_17 = arith.constant 0 : i32
    %dma_wait3A_18 = tpu.memref_slice %arg6[%dma_wait3A_15, %dma_wait3A_16, %dma_wait3A_17] : memref<2x32x1024xf32, #tpu.memory_space<vmem>> -> memref<1x32x1024xf32, #tpu.memory_space<vmem>>
    %dma_wait3A_19 = tpu.memref_squeeze %dma_wait3A_18 : memref<1x32x1024xf32, #tpu.memory_space<vmem>> -> memref<32x1024xf32, #tpu.memory_space<vmem>>
    %dma_wait3A_20 = arith.constant 0 : i32
    %dma_wait3A_21 = tpu.memref_slice %arg5[%dma_wait3A_20] : memref<32xi32, #tpu.memory_space<vmem>> -> memref<32xi32, #tpu.memory_space<vmem>>
    %dma_wait3A_22 = arith.constant 0 : i32
    %dma_wait3A_23 = arith.constant 0 : i32
    %dma_wait3A_24 = tpu.memref_slice %arg2[%dma_wait3A_22, %dma_wait3A_23] : memref<256x1024xf32, #tpu.memory_space<hbm>> -> memref<256x1024xf32, #tpu.memory_space<hbm>>
    tpu.wait_indirect_dma semaphore(%arg8 : memref<!tpu.dma_semaphore, #tpu.memory_space<semaphore_mem>>) src(%dma_wait3A_24 : memref<256x1024xf32, #tpu.memory_space<hbm>>) dst(%dma_wait3A_19 : memref<32x1024xf32, #tpu.memory_space<vmem>>)
    %add3A_25 = arith.constant 0 : i32
    %add3A_26 = arith.addi %mul3A_2, %add3A_25 : i32
    %run_scoped3A = arith.constant 0 : i32
    "tpu.region"() ({
      %run_scoped3A_27 = tpu.sem_alloc : memref<!tpu.dma_semaphore, #tpu.memory_space<semaphore_mem>>
      %dma_start3A_28 = arith.constant 0 : i32
      %dma_start3A_29 = arith.constant 0 : i32
      %dma_start3A_30 = tpu.memref_slice %arg6[%run_scoped3A, %dma_start3A_28, %dma_start3A_29] : memref<2x32x1024xf32, #tpu.memory_space<vmem>> -> memref<1x32x1024xf32, #tpu.memory_space<vmem>>
      %dma_start3A_31 = tpu.memref_squeeze %dma_start3A_30 : memref<1x32x1024xf32, #tpu.memory_space<vmem>> -> memref<32x1024xf32, #tpu.memory_space<vmem>>
      %dma_start3A_32 = arith.constant 0 : i32
      %dma_start3A_33 = tpu.memref_slice %arg4[%add3A_26, %dma_start3A_32] : memref<1024x1024xf32, #tpu.memory_space<hbm>> -> memref<32x1024xf32, #tpu.memory_space<hbm>>
      %dma_start3A_34 = arith.constant 0 : i32
      %dma_start3A_35 = tpu.memref_slice %arg4[%add3A_26, %dma_start3A_34] : memref<1024x1024xf32, #tpu.memory_space<hbm>> -> memref<32x1024xf32, #tpu.memory_space<hbm>>
      %dma_start3A_36 = arith.constant 0 : i32
      %dma_start3A_37 = arith.constant 0 : i32
      %dma_start3A_38 = tpu.memref_slice %arg6[%run_scoped3A, %dma_start3A_36, %dma_start3A_37] : memref<2x32x1024xf32, #tpu.memory_space<vmem>> -> memref<1x32x1024xf32, #tpu.memory_space<vmem>>
      %dma_start3A_39 = tpu.memref_squeeze %dma_start3A_38 : memref<1x32x1024xf32, #tpu.memory_space<vmem>> -> memref<32x1024xf32, #tpu.memory_space<vmem>>
      tpu.enqueue_dma source(%dma_start3A_39 : memref<32x1024xf32, #tpu.memory_space<vmem>>) target(%dma_start3A_35 : memref<32x1024xf32, #tpu.memory_space<hbm>>) target_semaphore(%run_scoped3A_27 : memref<!tpu.dma_semaphore, #tpu.memory_space<semaphore_mem>>)
      %dma_wait3A_40 = arith.constant 0 : i32
      %dma_wait3A_41 = arith.constant 0 : i32
      %dma_wait3A_42 = tpu.memref_slice %arg6[%run_scoped3A, %dma_wait3A_40, %dma_wait3A_41] : memref<2x32x1024xf32, #tpu.memory_space<vmem>> -> memref<1x32x1024xf32, #tpu.memory_space<vmem>>
      %dma_wait3A_43 = tpu.memref_squeeze %dma_wait3A_42 : memref<1x32x1024xf32, #tpu.memory_space<vmem>> -> memref<32x1024xf32, #tpu.memory_space<vmem>>
      %dma_wait3A_44 = arith.constant 0 : i32
      %dma_wait3A_45 = tpu.memref_slice %arg4[%add3A_26, %dma_wait3A_44] : memref<1024x1024xf32, #tpu.memory_space<hbm>> -> memref<32x1024xf32, #tpu.memory_space<hbm>>
      %dma_wait3A_46 = arith.constant 0 : i32
      %dma_wait3A_47 = tpu.memref_slice %arg4[%add3A_26, %dma_wait3A_46] : memref<1024x1024xf32, #tpu.memory_space<hbm>> -> memref<32x1024xf32, #tpu.memory_space<hbm>>
      %dma_wait3A_48 = arith.constant 0 : i32
      %dma_wait3A_49 = arith.constant 0 : i32
      %dma_wait3A_50 = tpu.memref_slice %arg6[%run_scoped3A, %dma_wait3A_48, %dma_wait3A_49] : memref<2x32x1024xf32, #tpu.memory_space<vmem>> -> memref<1x32x1024xf32, #tpu.memory_space<vmem>>
      %dma_wait3A_51 = tpu.memref_squeeze %dma_wait3A_50 : memref<1x32x1024xf32, #tpu.memory_space<vmem>> -> memref<32x1024xf32, #tpu.memory_space<vmem>>
      tpu.wait_dma2 semaphore(%run_scoped3A_27 : memref<!tpu.dma_semaphore, #tpu.memory_space<semaphore_mem>>) src(%dma_wait3A_51 : memref<32x1024xf32, #tpu.memory_space<vmem>>) dst(%dma_wait3A_47 : memref<32x1024xf32, #tpu.memory_space<hbm>>)
      tpu.yield
    }) : () -> ()
    return
  }
}

module attributes {stable_mosaic.version = 14 : i64} {
  func.func @_h_body(%arg0: i32, %arg1: memref<1024x1024xf32, #tpu.memory_space<vmem>>, %arg2: memref<1024x1024xf32, #tpu.memory_space<vmem>>, %arg3: memref<1x1024xf32, #tpu.memory_space<vmem>>, %arg4: memref<1024x1024xf32, #tpu.memory_space<vmem>>) attributes {dimension_semantics = [#tpu.dimension_semantics<arbitrary>], iteration_bounds = array<i64: 8>, scalar_prefetch = 0 : i64, scratch_operands = 0 : i64, tpu.core_type = #tpu.core_type<tc>, window_params = [{transform_indices = @transform_0, window_bounds = array<i64: 1024, 1024>}, {pipeline_mode = #tpu.pipeline_mode<synchronous>, transform_indices = @transform_1, window_bounds = array<i64: 1024, 1024>}, {pipeline_mode = #tpu.pipeline_mode<synchronous>, transform_indices = @transform_2, window_bounds = array<i64: 1, 1024>}, {transform_indices = @transform_3, window_bounds = array<i64: 1024, 1024>}]} {
    %get3A = arith.constant 0 : index
    %get3A_0 = arith.constant 0 : index
    %get3A_1 = vector.load %arg1[%get3A, %get3A_0] : memref<1024x1024xf32, #tpu.memory_space<vmem>>, vector<1024x1024xf32>
    %get3A_2 = arith.constant 0 : index
    %get3A_3 = arith.constant 0 : index
    %get3A_4 = vector.load %arg2[%get3A_2, %get3A_3] : memref<1024x1024xf32, #tpu.memory_space<vmem>>, vector<1024x1024xf32>
    %dot_general3A = arith.constant dense<0.000000e+00> : vector<1024x1024xf32>
    %dot_general3A_5 = tpu.matmul %get3A_1, %get3A_4, %dot_general3A {dimension_numbers = #tpu.dot_dimension_numbers<[1], [0], [0], [1], [0, 0, 1, 1], [], []>, transpose_lhs_hint = false} : vector<1024x1024xf32>, vector<1024x1024xf32>, vector<1024x1024xf32> -> vector<1024x1024xf32>
    %get3A_6 = arith.constant 0 : index
    %get3A_7 = arith.constant 0 : index
    %get3A_8 = vector.load %arg3[%get3A_6, %get3A_7] : memref<1x1024xf32, #tpu.memory_space<vmem>>, vector<1x1024xf32>
    %add3A = vector.broadcast %get3A_8 : vector<1x1024xf32> to vector<1024x1024xf32>
    %add3A_9 = arith.addf %dot_general3A_5, %add3A : vector<1024x1024xf32>
    %swap3A = arith.constant 0 : index
    %swap3A_10 = arith.constant 0 : index
    %swap3A_11 = vector.load %arg4[%swap3A, %swap3A_10] : memref<1024x1024xf32, #tpu.memory_space<vmem>>, vector<1024x1024xf32>
    tpu.vector_store %arg4[%swap3A, %swap3A_10], %add3A_9 {strides = array<i32>} : memref<1024x1024xf32, #tpu.memory_space<vmem>>, vector<1024x1024xf32>,
    return
  }
  func.func @transform_0(%arg0: i32) -> (i32, i32) {
    %c0_i32 = arith.constant 0 : i32
    %c0_i32_0 = arith.constant 0 : i32
    return %arg0, %c0_i32 : i32, i32
  }
  func.func @transform_1(%arg0: i32) -> (i32, i32) {
    %c0_i32 = arith.constant 0 : i32
    %c0_i32_0 = arith.constant 0 : i32
    %c0_i32_1 = arith.constant 0 : i32
    return %c0_i32, %c0_i32_0 : i32, i32
  }
  func.func @transform_2(%arg0: i32) -> (i32, i32) {
    %c0_i32 = arith.constant 0 : i32
    %c0_i32_0 = arith.constant 0 : i32
    %c0_i32_1 = arith.constant 0 : i32
    return %c0_i32, %c0_i32_0 : i32, i32
  }
  func.func @transform_3(%arg0: i32) -> (i32, i32) {
    %c0_i32 = arith.constant 0 : i32
    %c0_i32_0 = arith.constant 0 : i32
    return %arg0, %c0_i32 : i32, i32
  }
}

module attributes {stable_mosaic.version = 14 : i64} {
  func.func @_table_body(%arg0: memref<256x32xf32, #tpu.memory_space<vmem>>, %arg1: memref<32x1024xf32, #tpu.memory_space<vmem>>, %arg2: memref<1x1024xf32, #tpu.memory_space<vmem>>, %arg3: memref<1024x1024xf32, #tpu.memory_space<vmem>>, %arg4: memref<1x1024xf32, #tpu.memory_space<vmem>>, %arg5: memref<256x1024xf32, #tpu.memory_space<vmem>>) attributes {dimension_semantics = [], scalar_prefetch = 0 : i64, scratch_operands = 0 : i64, tpu.core_type = #tpu.core_type<tc>} {
    %get3A = arith.constant 0 : index
    %get3A_0 = arith.constant 0 : index
    %get3A_1 = vector.load %arg0[%get3A, %get3A_0] : memref<256x32xf32, #tpu.memory_space<vmem>>, vector<256x32xf32>
    %get3A_2 = arith.constant 0 : index
    %get3A_3 = arith.constant 0 : index
    %get3A_4 = vector.load %arg1[%get3A_2, %get3A_3] : memref<32x1024xf32, #tpu.memory_space<vmem>>, vector<32x1024xf32>
    %dot_general3A = arith.constant dense<0.000000e+00> : vector<256x1024xf32>
    %dot_general3A_5 = tpu.matmul %get3A_1, %get3A_4, %dot_general3A {dimension_numbers = #tpu.dot_dimension_numbers<[1], [0], [0], [1], [0, 0, 1, 1], [], []>, transpose_lhs_hint = false} : vector<256x32xf32>, vector<32x1024xf32>, vector<256x1024xf32> -> vector<256x1024xf32>
    %get3A_6 = arith.constant 0 : index
    %get3A_7 = arith.constant 0 : index
    %get3A_8 = vector.load %arg2[%get3A_6, %get3A_7] : memref<1x1024xf32, #tpu.memory_space<vmem>>, vector<1x1024xf32>
    %add3A = vector.broadcast %get3A_8 : vector<1x1024xf32> to vector<256x1024xf32>
    %add3A_9 = arith.addf %dot_general3A_5, %add3A : vector<256x1024xf32>
    %get3A_10 = arith.constant 0 : index
    %get3A_11 = arith.constant 0 : index
    %get3A_12 = vector.load %arg3[%get3A_10, %get3A_11] : memref<1024x1024xf32, #tpu.memory_space<vmem>>, vector<1024x1024xf32>
    %dot_general3A_13 = arith.constant dense<0.000000e+00> : vector<256x1024xf32>
    %dot_general3A_14 = tpu.matmul %add3A_9, %get3A_12, %dot_general3A_13 {dimension_numbers = #tpu.dot_dimension_numbers<[1], [0], [0], [1], [0, 0, 1, 1], [], []>, transpose_lhs_hint = false} : vector<256x1024xf32>, vector<1024x1024xf32>, vector<256x1024xf32> -> vector<256x1024xf32>
    %get3A_15 = arith.constant 0 : index
    %get3A_16 = arith.constant 0 : index
    %get3A_17 = vector.load %arg4[%get3A_15, %get3A_16] : memref<1x1024xf32, #tpu.memory_space<vmem>>, vector<1x1024xf32>
    %add3A_18 = vector.broadcast %get3A_17 : vector<1x1024xf32> to vector<256x1024xf32>
    %add3A_19 = arith.addf %dot_general3A_14, %add3A_18 : vector<256x1024xf32>
    %jit3A = arith.constant -1.000000e+00 : f32
    %jit3A_20 = arith.constant 1.000000e+00 : f32
    %max3A = vector.broadcast %jit3A : f32 to vector<256x1024xf32>
    %max3A_21 = arith.maximumf %max3A, %add3A_19 : vector<256x1024xf32>
    %min3A = vector.broadcast %jit3A_20 : f32 to vector<256x1024xf32>
    %min3A_22 = arith.minimumf %min3A, %max3A_21 : vector<256x1024xf32>
    %swap3A = arith.constant 0 : index
    %swap3A_23 = arith.constant 0 : index
    %swap3A_24 = vector.load %arg5[%swap3A, %swap3A_23] : memref<256x1024xf32, #tpu.memory_space<vmem>>, vector<256x1024xf32>
    tpu.vector_store %arg5[%swap3A, %swap3A_23], %min3A_22 {strides = array<i32>} : memref<256x1024xf32, #tpu.memory_space<vmem>>, vector<256x1024xf32>,
    return
  }
}

module attributes {stable_mosaic.version = 14 : i64} {
  func.func @_onehot_body(%arg0: i32, %arg1: memref<1x1x1024xi32, #tpu.memory_space<vmem>>, %arg2: memref<256x1024xf32, #tpu.memory_space<vmem>>, %arg3: memref<1024x1024xf32, #tpu.memory_space<vmem>>) attributes {dimension_semantics = [#tpu.dimension_semantics<arbitrary>], iteration_bounds = array<i64: 7>, scalar_prefetch = 0 : i64, scratch_operands = 0 : i64, tpu.core_type = #tpu.core_type<tc>, window_params = [{transform_indices = @transform_0, window_bounds = array<i64: 1, 1, 1024>}, {pipeline_mode = #tpu.pipeline_mode<synchronous>, transform_indices = @transform_1, window_bounds = array<i64: 256, 1024>}, {transform_indices = @transform_2, window_bounds = array<i64: 1024, 1024>}]} {
    %get3A = arith.constant 0 : index
    %get3A_0 = arith.constant 0 : index
    %get3A_1 = arith.constant 0 : index
    %get3A_2 = vector.load %arg1[%get3A, %get3A_0, %get3A_1] : memref<1x1x1024xi32, #tpu.memory_space<vmem>>, vector<1x1x1024xi32>
    %get3A_3 = vector.shape_cast %get3A_2 : vector<1x1x1024xi32> to vector<1024xi32>
    %iota3A = tpu.iota {dimensions = array<i32: 1>} : vector<1024x256xi32>
    %broadcast_in_dim3A = vector.shape_cast %get3A_3 : vector<1024xi32> to vector<1024x1xi32>
    %eq3A = vector.broadcast %broadcast_in_dim3A : vector<1024x1xi32> to vector<1024x256xi32>
    %eq3A_4 = arith.cmpi eq, %iota3A, %eq3A : vector<1024x256xi32>
    %convert_element_type3A = arith.extui %eq3A_4 : vector<1024x256xi1> to vector<1024x256xi32>
    %convert_element_type3A_5 = arith.sitofp %convert_element_type3A : vector<1024x256xi32> to vector<1024x256xf32>
    %get3A_6 = arith.constant 0 : index
    %get3A_7 = arith.constant 0 : index
    %get3A_8 = vector.load %arg2[%get3A_6, %get3A_7] : memref<256x1024xf32, #tpu.memory_space<vmem>>, vector<256x1024xf32>
    %dot_general3A = arith.constant dense<0.000000e+00> : vector<1024x1024xf32>
    %dot_general3A_9 = tpu.matmul %convert_element_type3A_5, %get3A_8, %dot_general3A {dimension_numbers = #tpu.dot_dimension_numbers<[1], [0], [0], [1], [0, 0, 1, 1], [], []>, transpose_lhs_hint = false} : vector<1024x256xf32>, vector<256x1024xf32>, vector<1024x1024xf32> -> vector<1024x1024xf32>
    %swap3A = arith.constant 0 : index
    %swap3A_10 = arith.constant 0 : index
    %swap3A_11 = vector.load %arg3[%swap3A, %swap3A_10] : memref<1024x1024xf32, #tpu.memory_space<vmem>>, vector<1024x1024xf32>
    tpu.vector_store %arg3[%swap3A, %swap3A_10], %dot_general3A_9 {strides = array<i32>} : memref<1024x1024xf32, #tpu.memory_space<vmem>>, vector<1024x1024xf32>,
    return
  }
  func.func @transform_0(%arg0: i32) -> (i32, i32, i32) {
    %add3A = arith.constant 1 : i32
    %add3A_0 = arith.addi %arg0, %add3A : i32
    %c0_i32 = arith.constant 0 : i32
    %c0_i32_1 = arith.constant 0 : i32
    %c0_i32_2 = arith.constant 0 : i32
    return %add3A_0, %c0_i32, %c0_i32_1 : i32, i32, i32
  }
  func.func @transform_1(%arg0: i32) -> (i32, i32) {
    %c0_i32 = arith.constant 0 : i32
    %c0_i32_0 = arith.constant 0 : i32
    %c0_i32_1 = arith.constant 0 : i32
    return %c0_i32, %c0_i32_0 : i32, i32
  }
  func.func @transform_2(%arg0: i32) -> (i32, i32) {
    %add3A = arith.constant 1 : i32
    %add3A_0 = arith.addi %arg0, %add3A : i32
    %c0_i32 = arith.constant 0 : i32
    %c0_i32_1 = arith.constant 0 : i32
    return %add3A_0, %c0_i32 : i32, i32
  }
}

</mosaic_0001>

<sc_bundles>
// kernel: kernel.6.cloned.1.call-start
scs
__scs_entry_jumppad:
0x0: {  	(pc) =	sbr.rel $0x88, $3  }
0x1: {  	(tag) =	ssettag $0x0;
	lr =	simm.s32 $0x1  }
0x2: {  	[smem:$0x3F97] =	sst lr;
	_ =	strace $0xD0000000  }
0x3: {  	_ = 	snop  }
0x4: {  	_ = 	snop  }
0x5: {  	_ = 	snop  }
0x6: {  	_ = 	snop  }
0x7: {  	_ = 	snop  }
__scs_overlays_trampoline_lowered:
0x8: {  	[smem:$0x3FA6] =	sst s0  }
0x9: {  	[smem:$0x3FA7] =	sst s1  }
0xa: {  	[smem:$0x3FA8] =	sst s2  }
0xb: {  	[smem:$0x3FA9] =	sst s3  }
0xc: {  	[smem:$0x3FAA] =	sst s4  }
0xd: {  	[smem:$0x3FAB] =	sst s5  }
0xe: {  	[smem:$0x3FAC] =	sst s6  }
0xf: {  	[smem:$0x3FAD] =	sst s7  }
0x10: {  	[smem:$0x3FAE] =	sst s8  }
0x11: {  	[smem:$0x3FAF] =	sst s9;
	s0 =	simm.s32 @!p0 $0x0  }
0x12: {  	s1 =	sld [smem:$0x3F95];
	s0 =	simm.s32 @p0 $0x1  }
0x13: {  	[smem:$0x3FB0] =	sst s0;
	s0 =	simm.s32 @!p1 $0x0  }
0x14: {  	s2 =	sld [smem:$0x3F94];
	s0 =	simm.s32 @p1 $0x1  }
0x15: {  	[smem:$0x3FB1] =	sst s0;
	s0 =	simm.s32 @!p2 $0x0  }
0x16: {  	s3 =	sld [smem:$0x3FDB];
	s0 =	simm.s32 @p2 $0x1  }
0x17: {  	s4 =	simm.s32 $0x1BF5;
	[smem:$0x3FB3] =	sst s0  }
0x18: {  	s0 =	sld [smem:$0x3F96];
	_ =	swait.ge [sflag:s4], $0x0  }
0x19: {  	s7 =	sld [smem:$0x3F97]  }
0x1a: {  	s8 =	sadd.s32 $0xFFFFE003, lr  }
0x1b: {  	s9 =	sadd.s32 $0xFFFFFEF7, lr;
	s5 =	simm.s32 $0xFFFFFFFF;
	p2 =	slt.u32 s8, $0xFFFFF086  }
0x1c: {  	p1 =	slt.u32 s9, $0xF7A;
	s5 =	simm.s32 @!p2 $0x0  }
0x1d: {  	s5 =	simm.s32 @p1 $0x1;
	p0 =	seq.s32 s7, s2  }
0x1e: {  	s7 =	smul.u32 @!p0 $0xF7A, s2;
	p2 =	seq.s32 @!p0 s5, $0x0  }
0x1f: {  	s9 =	smul.u32 $0xF7A, s1;
	s8 =	simm.s32 @!p0 $0x1BF5;
	p2 =	por !p2, p0  }
0x20: {  	[sflag:s8] =	ssyncset.s32 @!p0 $0xFFFFF086;
	s6 =	sadd.s32 @!p0 s3, s7;
	s7 =	simm.s32 @!p0 $0x108  }
0x21: {  	s3 =	sadd.s32 s3, s9;
	s6 =	sadd.s32 @!p0 $0x88, s6;
	s7 =	simm.s32 @p2 $0x1082  }
0x22: {  	[simem:s7], [sflag:s8] =	dma.local @!p0 [hbm:s6], $0xF7A  }
0x23: {  	s9 =	sor.u32 $0xD0000000, s2;
	s6 =	simm.s32 $0x108;
	_ =	swait.ge @!p0 [sflag:s8], $0x0  }
0x24: {  	s3 =	sadd.s32 $0x88, s3;
	s6 =	simm.s32 @!p1 $0x1082;
	[sflag:s4] =	ssyncset.s32 $0xFFFFF086  }
0x25: {  	[simem:s6], [sflag:s4] =	dma.local [hbm:s3], $0xF7A  }
0x26: {  	[smem:$0x3F97] =	sst s1;
	(tag) =	ssettag s2;
	_ =	strace s9  }
0x27: {  	s1 =	sld [smem:$0x3FA7]  }
0x28: {  	s2 =	sld [smem:$0x3FA8]  }
0x29: {  	s4 =	sld [smem:$0x3FAA]  }
0x2a: {  	p0 =	seq.s32 s5, $0x0;
	s5 =	sld [smem:$0x3FAB]  }
0x2b: {  	s6 =	sld [smem:$0x3FAC]  }
0x2c: {  	s7 =	sld [smem:$0x3FAD]  }
0x2d: {  	s3 =	simm.s32 $0x108;
	s8 =	sld [smem:$0x3FAE]  }
0x2e: {  	s3 =	simm.s32 @!p0 $0x1082;
	s9 =	sld [smem:$0x3FAF]  }
0x2f: {  	lr =	sadd.s32 s0, s3;
	s0 =	sld [smem:$0x3FA6]  }
0x30: {  	s3 =	sld [smem:$0x3FA9]  }
0x31: {  	[smem:$0x3FB2] =	sst s10  }
0x32: {  	s10 =	sld [smem:$0x3FB0];
	_ =	sdelay $0x3  }
0x33: {  	p0 =	seq.s32 s10, $0x1;
	s10 =	sld [smem:$0x3FB2];
	_ =	sdelay $0x3  }
0x34: {  	[smem:$0x3FB2] =	sst s10  }
0x35: {  	s10 =	sld [smem:$0x3FB1];
	_ =	sdelay $0x3  }
0x36: {  	p1 =	seq.s32 s10, $0x1;
	s10 =	sld [smem:$0x3FB2];
	_ =	sdelay $0x3  }
0x37: {  	[smem:$0x3FB2] =	sst s10  }
0x38: {  	s10 =	sld [smem:$0x3FB3]  }
0x39: {  	_ = 	snop;
	(pc) =	sbr.ind lr, $3  }
0x3a: {  	_ = 	snop  }
0x3b: {  	_ = 	snop  }
0x3c: {  	p2 =	seq.s32 s10, $0x1;
	s10 =	sld [smem:$0x3FB2]  }
0x3d: {  	_ =	shalt  }
0x3e: {  	_ =	shalt  }
0x3f: {  	_ =	shalt  }
0x40: {  	_ =	shalt  }
0x41: {  	_ =	shalt  }
0x42: {  	_ =	shalt  }
0x43: {  	_ =	shalt  }
0x44: {  	_ =	shalt  }
0x45: {  	_ =	shalt  }
0x46: {  	_ =	shalt  }
0x47: {  	_ =	shalt  }
0x48: {  	_ =	shalt  }
0x49: {  	_ =	shalt  }
0x4a: {  	_ =	shalt  }
0x4b: {  	_ =	shalt  }
0x4c: {  	_ =	shalt  }
0x4d: {  	_ =	shalt  }
0x4e: {  	_ =	shalt  }
0x4f: {  	_ =	shalt  }
0x50: {  	_ =	shalt  }
0x51: {  	_ =	shalt  }
0x52: {  	_ =	shalt  }
0x53: {  	_ =	shalt  }
0x54: {  	_ =	shalt  }
0x55: {  	_ =	shalt  }
0x56: {  	_ =	shalt  }
0x57: {  	_ =	shalt  }
0x58: {  	_ =	shalt  }
0x59: {  	_ =	shalt  }
0x5a: {  	_ =	shalt  }
0x5b: {  	_ =	shalt  }
0x5c: {  	_ =	shalt  }
0x5d: {  	_ =	shalt  }
0x5e: {  	_ =	shalt  }
0x5f: {  	_ =	shalt  }
0x60: {  	_ =	shalt  }
0x61: {  	_ =	shalt  }
0x62: {  	_ =	shalt  }
0x63: {  	_ =	shalt  }
0x64: {  	_ =	shalt  }
0x65: {  	_ =	shalt  }
0x66: {  	_ =	shalt  }
0x67: {  	_ =	shalt  }
0x68: {  	_ =	shalt  }
0x69: {  	_ =	shalt  }
0x6a: {  	_ =	shalt  }
0x6b: {  	_ =	shalt  }
0x6c: {  	_ =	shalt  }
0x6d: {  	_ =	shalt  }
0x6e: {  	_ =	shalt  }
0x6f: {  	_ =	shalt  }
0x70: {  	_ =	shalt  }
0x71: {  	_ =	shalt  }
0x72: {  	_ =	shalt  }
0x73: {  	_ =	shalt  }
0x74: {  	_ =	shalt  }
0x75: {  	_ =	shalt  }
0x76: {  	_ =	shalt  }
0x77: {  	_ =	shalt  }
0x78: {  	_ =	shalt  }
0x79: {  	_ =	shalt  }
0x7a: {  	_ =	shalt  }
0x7b: {  	_ =	shalt  }
0x7c: {  	_ =	shalt  }
0x7d: {  	_ =	shalt  }
0x7e: {  	_ =	shalt  }
0x7f: {  	_ =	shalt  }
0x80: {  	_ =	shalt  }
0x81: {  	_ =	shalt  }
0x82: {  	_ =	shalt  }
0x83: {  	_ =	shalt  }
0x84: {  	_ =	shalt  }
0x85: {  	_ =	shalt  }
0x86: {  	_ =	shalt  }
0x87: {  	_ =	shalt  }
.Lfunc_end0:
.L_simem_size_0:
called_computation_lowered:
.L_overlay_start_0:
0x88: {  	s2 =	sld [smem:$0x3FD9]  }
0x89: {  	s3 =	sld [smem:$0x3FFE];
	_ =	sdelay $0x1  }
0x8a: {  	s1 =	srdreg.scid  }
0x8b: {  	s0 =	sand.u32 $0x1, s1  }
0x8c: {  	s16 =	sshll.u32 s0, $0xA;
	s2 =	sadd.s32 s3, s2  }
0x8d: {  	s2 =	sadd.s32 s2, s16  }
0x8e: {  	[smem:$0x3FBE] =	sst s2  }
0x8f: {  	_ = 	snop  }
0x90: {  	(tm) =	ssettm $0x1  }
0x91: {  	s17 =	sld [smem:$0x3FFB];
	_ =	sdelay $0x3  }
0x92: {  	_ =	strace s17  }
0x93: {  	s2 =	sld [smem:$0x3FFC];
	_ =	sdelay $0x3  }
0x94: {  	_ =	strace s2  }
0x95: {  	s2 =	sld [smem:$0x3FFD];
	_ =	sdelay $0x3  }
0x96: {  	_ =	strace s2  }
0x97: {  	_ =	strace $0x8FFFFFFF  }
0x98: {  	s18 =	sld [smem:$0x3FDB];
	_ =	sdelay $0x1  }
0x99: {  	s19 =	simm.s32 $_scs_section_size  }
0x9a: {  	s4 =	simm.s32 $_size__tile_overlayer_lowered;
	s5 =	simm.s32 $_tile_overlayer_lowered  }
0x9b: {  	s22 =	simm.s32 $0x1BFF;
	s21 =	sshll.u32 s5, $0x1;
	s2 =	sadd.s32 s19, s18  }
0x9c: {  	s6 =	simm.s32 $0x0;
	s20 =	sshll.u32 s4, $0x1;
	s4 =	sadd.s32 s21, s2  }
0x9d: {  	[timem:s6], [sflag:s22] =	dma.local [hbm:s4], s20  }
0x9e: {  	_ =	swait.ge [sflag:s22], s20  }
0x9f: {  	s3 =	ssub.s32 $0x0, s20;
	[sflag:s22] =	ssyncset.done $0x0  }
0xa0: {  	[sflag:s22] =	ssyncadd.s32 s3;
	_ =	sdelay $0x1  }
0xa1: {  	s23 =	simm.s32 $0x1B8B  }
0xa2: {  	_ =	swait.ge [sflag:s23], $0x1  }
0xa3: {  	[sflag:s23] =	ssyncset.done $0x0  }
0xa4: {  	s25 =	simm.s32 $0x1B8E;
	s24 =	sld [smem:$0x3FFE];
	[sflag:s23] =	ssyncadd.s32 $0xFFFFFFFF  }
0xa5: {  	s26 =	simm.s32 $execute0_lowered;
	[smem:$0x3FD2] =	sst s25  }
0xa6: {  	s4 =	sshll.u32 s26, $0x1;
	_ =	strace $0x80000046;
	[dreg:$0x1] =	wrdreg $0xFFFFFFFF  }
0xa7: {  	s28 =	simm.s32 $_size_execute0_lowered;
	s2 =	sadd.s32 s2, s4;
	[dreg:$0x0] =	wrdreg $0x0  }
0xa8: {  	s4 =	sshll.u32 s28, $0x1;
	[dreg:$0x2] =	wrdreg s2  }
0xa9: {  	[dreg:$0x3] =	wrdreg s4  }
0xaa: {  	[dreg:$0x4] =	wrdreg $0xC0  }
0xab: {  	_ =	task [dreg:s6], $0x5FFFF  }
0xac: {  	[dreg:$0x1] =	wrdreg $0xFFFFFFFF  }
0xad: {  	[dreg:$0x0] =	wrdreg $0x60  }
0xae: {  	[dreg:$0x2] =	wrdreg s24  }
0xaf: {  	[dreg:$0x3] =	wrdreg $0x9  }
0xb0: {  	_ =	task.clear_ibuf [dreg:s6], $0x4FFFF;
	_ =	strace $0x90000046  }
0xb1: {  	s29 =	simm.s32 $0x9;
	_ =	strace $0x80000048  }
0xb2: {  	_ =	swait.ge [sflag:s29], $0x1  }
0xb3: {  	[sflag:s29] =	ssyncadd.s32 $0xFFFFFFFF  }
0xb4: {  	_ =	strace $0x90000048  }
0xb5: {  	_ =	sfence  }
0xb6: {  	s30 =	sld [smem:$0x0];
	_ =	sdelay $0x2  }
0xb7: {  	s31 =	sshll.u32 s1, $0xD;
	s1 =	sshrl.u32 s1, $0x2  }
0xb8: {  	s3 =	sand.u32 $0x4000, s31;
	s1 =	sadd.s32 s1, s30  }
0xb9: {  	s0 =	sor.u32 s3, s0;
	s1 =	sshll.u32 s1, $0x11  }
0xba: {  	s0 =	sor.u32 s1, s0  }
0xbb: {  	s0 =	sadd.s32 $0x8F2B, s0  }
0xbc: {  	[sflag:s0] =	ssyncadd.remote.s32 $0x1  }
0xbd: {  	_ =	sfence.sel $0xFFFF  }
0xbe: {  	[dreg:$0x0] =	wrdreg $0xFFFFFFFF;
	(pc) =	sbr.abs _section_cstart, $3  }
0xbf: {  	[dreg:$0x1] =	wrdreg $0xFFFFFFFF  }
0xc0: {  	_ =	task.clear_ibuf [dreg:s6], $0x2FFFF;
	_ =	strace $0x9FFFFFFF  }
0xc1: {  	(tm) =	ssettm $0x7FFFFFFF  }
tec
execute0_lowered:
.L_overlay_start_1:
0x0: {  	(tag) =	ssettag $0x1  }
0x1: {  	s7 =	rddreg [dreg:$0x0]  }
0x2: {  	s0 =	rddreg [dreg:$0x1];
	s2 =	simm.s32 $0x0;
	s3 =	srdreg.scid  }
0x3: {  	s1 =	stileid.u32;
	s11 =	simm.s32 $0x80;
	s12 =	simm.s32 $0x880  }
0x4: {  	s13 =	simm.s32 $0x1080;
	s14 =	simm.s32 $0x1880;
	s15 =	simm.s32 $0x2080  }
0x5: {  	s16 =	simm.s32 $0x2880;
	s17 =	simm.s32 $0x3080;
	s18 =	simm.s32 $0x3880  }
0x6: {  	s19 =	simm.s32 $0x4080;
	s20 =	simm.s32 $0x4880;
	s21 =	simm.s32 $0x5080  }
0x7: {  	s22 =	simm.s32 $0x5880;
	s23 =	simm.s32 $0x6080;
	s24 =	simm.s32 $0x6880  }
0x8: {  	s25 =	simm.s32 $0x7080;
	s26 =	simm.s32 $0x7880;
	s28 =	simm.s32 $0x2  }
0x9: {  	s29 =	simm.s32 $0x3;
	[smem:$0x7FF] =	sst s2;
	s4 =	sand.u32 $0x1, s3  }
0xa: {  	s5 =	sshll.u32 s1, $0x6;
	s3 =	sadd.s32 $0x200, s7;
	s6 =	sshll.u32 s4, $0x5  }
0xb: {  	_ =	strace $0x80000047;
	s4 =	ssub.s32 $0x2, s4;
	s5 =	sor.u32 s6, s5  }
0xc: {  	s8 =	sshrl.u32 s4, $0x1;
	s6 =	sshll.u32 s5, $0x7;
	s5 =	sshrl.u32 s5, $0x3  }
0xd: {  	v2 =	vlaneseq.u32;
	s10 =	ssub.s32 s4, s8;
	s9 =	sadd.s32 s6, s7;
	s4 =	sadd.s32 s7, s5  }
0xe: {  	vm0 =	vmmov $0xffff;
	v1 =	vshrl.u32 v2, $0x3;
	s5 =	sadd.s32 $0x300, s7;
	s6 =	sadd.s32 $0x400, s7;
	s7 =	sadd.s32 $0x500, s7  }
0xf: {  	v0 =	vand.u32 $0x7, v2;
	v2 =	vor.u32 $0x8, v2;
	v1 =	vmul.u32 $0x8, v1;
	s8 =	sadd.s32 $0x8200, s9;
	s9 =	smax.u32 s10, $0x1;
	s10 =	simm.s32 $0x1  }
.LBB2_1:
0x10: {  	[tilespmem:s2], [sflag:$0x1] =	stream.linear.gather [hbm4b:s4+s2], $0x20, $0x38;
	[tilespmem:$0x10080] =	vst v63  }
0x11: {  	_ =	swait.ge [sflag:s10], $0x20  }
0x12: {  	[sflag:s10] =	ssyncset.done $0x0  }
0x13: {  	[sflag:s10] =	ssyncadd.s32 $0xFFFFFFE0  }
0x14: {  	v3 =	vld [tilespmem:$0x0];
	_ =	sdelay $0x4  }
0x15: {  	v4 =	vshll.u32 v3, $0x3  }
0x16: {  	v3 =	vand.u32 $0x7, v3;
	v4 =	vand.u32 $0xFFFFFFC0, v4  }
0x17: {  	v3 =	vor.u32 v3, v4  }
0x18: {  	v4 =	vperm.xlane v3, v0;
	_ =	sdelay $0x1  }
0x19: {  	v4 =	vadd.s32 v1, v4;
	_ =	sdelay $0x4  }
0x1a: {  	[tilespmem:s11], [sflag:$0x2] =	stream.indirect_vreg.gather [hbm4b:s3+s2], $0x80, v4, vm0, $0xb8;
	[tilespmem:$0x10080] =	vst v63  }
0x1b: {  	v3 =	vperm.xlane v3, v2  }
0x1c: {  	[tilespmem:s12], [sflag:$0x2] =	stream.indirect_vreg.gather [hbm4b:s5+s2], $0x80, v4, vm0, $0xb8;
	[tilespmem:$0x10080] =	vst v63  }
0x1d: {  	v3 =	vadd.s32 v1, v3  }
0x1e: {  	[tilespmem:s13], [sflag:$0x2] =	stream.indirect_vreg.gather [hbm4b:s6+s2], $0x80, v4, vm0, $0xb8;
	[tilespmem:$0x10080] =	vst v63  }
0x1f: {  	_ = 	snop  }
0x20: {  	[tilespmem:s14], [sflag:$0x2] =	stream.indirect_vreg.gather [hbm4b:s7+s2], $0x80, v4, vm0, $0xb8;
	[tilespmem:$0x10080] =	vst v63  }
0x21: {  	_ = 	snop  }
0x22: {  	[tilespmem:s15], [sflag:$0x2] =	stream.indirect_vreg.gather [hbm4b:s3+s2], $0x80, v3, vm0, $0xb8;
	[tilespmem:$0x10080] =	vst v63  }
0x23: {  	_ = 	snop  }
0x24: {  	[tilespmem:s16], [sflag:$0x2] =	stream.indirect_vreg.gather [hbm4b:s5+s2], $0x80, v3, vm0, $0xb8;
	[tilespmem:$0x10080] =	vst v63  }
0x25: {  	_ = 	snop  }
0x26: {  	[tilespmem:s17], [sflag:$0x2] =	stream.indirect_vreg.gather [hbm4b:s6+s2], $0x80, v3, vm0, $0xb8;
	[tilespmem:$0x10080] =	vst v63  }
0x27: {  	_ = 	snop  }
0x28: {  	[tilespmem:s18], [sflag:$0x2] =	stream.indirect_vreg.gather [hbm4b:s7+s2], $0x80, v3, vm0, $0xb8;
	[tilespmem:$0x10080] =	vst v63  }
0x29: {  	v3 =	vld [tilespmem:$0x10];
	_ =	sdelay $0x4  }
0x2a: {  	v63 =	vshll.u32 v3, $0x3  }
0x2b: {  	v3 =	vand.u32 $0x7, v3;
	v4 =	vand.u32 $0xFFFFFFC0, v63  }
0x2c: {  	v3 =	vor.u32 v3, v4  }
0x2d: {  	v4 =	vperm.xlane v3, v0;
	_ =	sdelay $0x1  }
0x2e: {  	v4 =	vadd.s32 v1, v4;
	_ =	sdelay $0x4  }
0x2f: {  	[tilespmem:s19], [sflag:$0x2] =	stream.indirect_vreg.gather [hbm4b:s3+s2], $0x80, v4, vm0, $0xb8;
	[tilespmem:$0x10080] =	vst v63  }
0x30: {  	v3 =	vperm.xlane v3, v2  }
0x31: {  	[tilespmem:s20], [sflag:$0x2] =	stream.indirect_vreg.gather [hbm4b:s5+s2], $0x80, v4, vm0, $0xb8;
	[tilespmem:$0x10080] =	vst v63  }
0x32: {  	v3 =	vadd.s32 v1, v3  }
0x33: {  	[tilespmem:s21], [sflag:$0x2] =	stream.indirect_vreg.gather [hbm4b:s6+s2], $0x80, v4, vm0, $0xb8;
	[tilespmem:$0x10080] =	vst v63  }
0x34: {  	_ = 	snop  }
0x35: {  	[tilespmem:s22], [sflag:$0x2] =	stream.indirect_vreg.gather [hbm4b:s7+s2], $0x80, v4, vm0, $0xb8;
	[tilespmem:$0x10080] =	vst v63  }
0x36: {  	_ = 	snop  }
0x37: {  	[tilespmem:s23], [sflag:$0x2] =	stream.indirect_vreg.gather [hbm4b:s3+s2], $0x80, v3, vm0, $0xb8;
	[tilespmem:$0x10080] =	vst v63  }
0x38: {  	_ = 	snop  }
0x39: {  	[tilespmem:s24], [sflag:$0x2] =	stream.indirect_vreg.gather [hbm4b:s5+s2], $0x80, v3, vm0, $0xb8;
	[tilespmem:$0x10080] =	vst v63  }
0x3a: {  	_ = 	snop  }
0x3b: {  	[tilespmem:s25], [sflag:$0x2] =	stream.indirect_vreg.gather [hbm4b:s6+s2], $0x80, v3, vm0, $0xb8;
	[tilespmem:$0x10080] =	vst v63  }
0x3c: {  	_ = 	snop  }
0x3d: {  	[tilespmem:s26], [sflag:$0x2] =	stream.indirect_vreg.gather [hbm4b:s7+s2], $0x80, v3, vm0, $0xb8;
	[tilespmem:$0x10080] =	vst v63  }
0x3e: {  	_ =	swait.ge [sflag:s28], $0x8000  }
0x3f: {  	p0 =	sne.s32 s9, $0x1;
	[sflag:s28] =	ssyncset.done $0x0  }
.Ltmp0:
0x40: {  	[sflag:s28] =	ssyncadd.s32 $0xFFFF8000;
	(pc) =	sbr.rel @p0 .LBB2_1-.Ltmp0, $4  }
0x41: {  	[hbm4b:s8+s2] =	stream.linear.scatter [tilespmem:s11], [sflag:$0x3], $0x8000, $0x38;
	[tilespmem:$0x10080] =	vst v63  }
0x42: {  	_ =	swait.ge [sflag:s29], $0x8000  }
0x43: {  	[sflag:s29] =	ssyncset.done $0x0  }
0x44: {  	s9 =	sadd.s32 $0xFFFFFFFF, s9;
	[sflag:s29] =	ssyncadd.s32 $0xFFFF8000  }
0x45: {  	_ =	sfence.sel $0x180000  }
0x46: {  	[bflag:$0x0] =	sbarrier.arrive $0xFFFF  }
0x47: {  	p0 =	sne.s32 s1, $0x0;
	_ =	strace $0x90000047  }
0x48: {  	s0 =	sadd.s32 @!p0 $0x100000, s0;
	[bflag:$0x2] =	sbarrier.arrive $0xFFFF  }
0x49: {  	[sflag:s0] =	ssyncadd.tile.s32 @!p0 $0x1;
	_ =	shalt  }
.Lfunc_end2:
_tile_overlayer_lowered:
.L_overlay_start_2:
0x4a: {  	(tag) =	ssettag $0x2  }
0x4b: {  	s0 =	rddreg [dreg:$0x0];
	s2 =	stileid.u32  }
0x4c: {  	s1 =	rddreg [dreg:$0x1];
	p0 =	sne.s32 s2, $0x0  }
0x4d: {  	s3 =	rddreg [dreg:$0x2];
	[bflag:$0x3] =	sbarrier.arrive $0xFFFF;
	s2 =	simm.s32 @!p0 $0x1C03  }
0x4e: {  	[timem:s3], [sflag:s2] =	dma.local @!p0 [hbm:s0], s1  }
0x4f: {  	s0 =	simm.s32 @!p0 $0x3  }
0x50: {  	_ =	swait.ge @!p0 [sflag:s0], s1  }
0x51: {  	s1 =	ssub.s32 @!p0 $0x0, s1;
	[sflag:s0] =	ssyncset.done @!p0 $0x0  }
0x52: {  	[sflag:s0] =	ssyncadd.s32 @!p0 s1  }
0x53: {  	[bflag:$0x3] =	sbarrier.arrive $0xFFFF  }
0x54: {  	_ =	shalt  }

</sc_bundles>
